<compile_context>
chip_gen: v7x
topology: tpu7x:2x2x1
jax: 0.10.2.dev20260603
libtpu: 0.0.44.dev20260713+nightly
codegen_flags: <defaults>
</compile_context>

<pallas_src>
import functools

import jax
import jax.numpy as jnp
from jax import lax
from jax.experimental import pallas as pl
from jax.experimental.pallas import tpu as pltpu
from jax.experimental.pallas import tpu_sc as plsc

N = 10000
E = 320000
D = 128
DH = 64
NC = 2
NS = 16
L = 16
CW = 16
B = 80
ET = E // NS
NCHUNK = ET // B
NPT = N // NS


def _body(eL, eR, src, dst, out, sums_sp, cnts_sp, big_v, cnt_v, gbuf, sidx,
          didx, ones_v, sem):
    cid = lax.axis_index("c")
    sid = lax.axis_index("s")
    nb = sid * NPT

    zero16 = jnp.zeros((L,), jnp.float32)
    one16 = jnp.ones((L,), jnp.float32)

    def zrow(i, c):
        for j in range(DH // L):
            big_v[i, pl.ds(j * L, L)] = zero16
        cnt_v[i, :] = zero16
        return c

    lax.fori_loop(0, NPT, zrow, 0)

    def orow(i, c):
        ones_v[i, :] = one16
        return c

    lax.fori_loop(0, B, orow, 0)

    pltpu.sync_copy(big_v, sums_sp.at[pl.ds(nb, NPT)])
    pltpu.sync_copy(cnt_v, cnts_sp.at[pl.ds(nb, NPT)])
    plsc.subcore_barrier()

    def phase1(ent_hbm):
        ebase = sid * ET

        def chunk(k, c):
            eb = ebase + k * B
            pltpu.sync_copy(src.at[pl.ds(eb, B)], sidx)
            pltpu.sync_copy(dst.at[pl.ds(eb, B)], didx)
            pltpu.async_copy(ent_hbm.at[sidx], gbuf, sem).wait()
            pltpu.sync_copy(gbuf, sums_sp.at[didx], add=True)
            pltpu.sync_copy(ones_v, cnts_sp.at[didx], add=True)
            return c

        lax.fori_loop(0, NCHUNK, chunk, 0)

    @pl.when(cid == 0)
    def _():
        phase1(eL)

    @pl.when(cid != 0)
    def _():
        phase1(eR)

    plsc.subcore_barrier()

    pltpu.sync_copy(sums_sp.at[pl.ds(nb, NPT)], big_v)
    pltpu.sync_copy(cnts_sp.at[pl.ds(nb, NPT)], cnt_v)

    def norm(i, c):
        cnt = cnt_v[i, :]
        inv = 1.0 / jnp.maximum(cnt, 1.0)
        for j in range(DH // L):
            sl = pl.ds(j * L, L)
            big_v[i, sl] = big_v[i, sl] * inv
        return c

    lax.fori_loop(0, NPT, norm, 0)
    pltpu.sync_copy(big_v, out.at[cid, sid])


_sc_call = pl.kernel(
    _body,
    out_type=jax.ShapeDtypeStruct((NC, NS, NPT, DH), jnp.float32),
    mesh=plsc.VectorSubcoreMesh(core_axis_name="c", subcore_axis_name="s"),
    compiler_params=pltpu.CompilerParams(use_tc_tiling_on_sc=False),
    scratch_types=[
        pltpu.VMEM_SHARED((N, DH), jnp.float32),
        pltpu.VMEM_SHARED((N, CW), jnp.float32),
        pltpu.VMEM((NPT, DH), jnp.float32),
        pltpu.VMEM((NPT, CW), jnp.float32),
        pltpu.VMEM((B, DH), jnp.float32),
        pltpu.VMEM((B,), jnp.int32),
        pltpu.VMEM((B,), jnp.int32),
        pltpu.VMEM((B, CW), jnp.float32),
        pltpu.SemaphoreType.DMA,
    ],
)


@jax.jit
def kernel(entities, relations, edge_index):
    del relations
    halves = _sc_call(entities[:, :DH], entities[:, DH:], edge_index[0],
                      edge_index[2]).reshape(NC, N, DH)
    return jnp.concatenate([halves[0], halves[1]], axis=1)

# --- scband reference (transcript-rebuilt; emitter-appended) ---
"""Pipeline reference for scband-dgnnlayer-1211180777852 (READ-ONLY COPY).

The authoritative reference and input builder live on the scoring server;
editing this copy changes nothing except your own understanding.
"""

import jax, jax.numpy as jnp
import numpy as np

N_NODES = 10000
N_EDGES = 320000
D_FEAT = 128
N_REL = 500

def setup_inputs(seed: int = 0) -> dict:
    key = jax.random.key(seed)
    k1, k2, k3 = jax.random.split(key, 3)
    entities = jax.random.normal(k1, (N_NODES, D_FEAT), dtype=jnp.float32)
    relations = jax.random.normal(k2, (N_REL, D_FEAT), dtype=jnp.float32)
    edge_index = jax.random.randint(k3, (3, N_EDGES), 0, N_NODES, dtype=jnp.int32)
    return {"entities": entities, "relations": relations, "edge_index": edge_index}

def reference(entities, relations, edge_index):
    # DGNNLayer with gnn_type='GCN', is_head_rel=True
    # Calculate_Entity: gather source (head, pos=0) entity features per edge
    ent_ins = jnp.take(entities, edge_index[0], axis=0)
    # GCN_update: scatter_mean onto tail nodes (pos=2), dim_size = num entities
    idx = edge_index[2]
    n = entities.shape[0]
    sums = jax.ops.segment_sum(ent_ins, idx, num_segments=n)
    counts = jax.ops.segment_sum(jnp.ones((ent_ins.shape[0],), dtype=ent_ins.dtype), idx, num_segments=n)
    # torch_scatter.scatter_mean yields 0 for segments with no contributions
    out = jnp.where(counts[:, None] > 0, sums / jnp.maximum(counts, 1.0)[:, None], 0.0)
    return out

if __name__ == "__main__":
    import jax
    _d = setup_inputs()
    print(jax.jit(kernel)(*tuple(_d.values())))

</pallas_src>

<mosaic_0001>
#map = affine_map<(d0, d1) -> (0, 0)>
#map1 = affine_map<(d0, d1) -> (0)>
#map2 = affine_map<(d0, d1) -> (0, 0, 0, 0)>
module attributes {stable_mosaic.version = 14 : i64} {
  func.func @_body(%arg0: i32, %arg1: i32, %arg2: memref<10000x64xf32, #tpu.memory_space<hbm>>, %arg3: memref<10000x64xf32, #tpu.memory_space<hbm>>, %arg4: memref<320000xi32, #tpu.memory_space<hbm>>, %arg5: memref<320000xi32, #tpu.memory_space<hbm>>, %arg6: memref<2x16x625x64xf32, #tpu.memory_space<hbm>>, %arg7: memref<10000x64xf32, #tpu.memory_space<vmem_shared>>, %arg8: memref<10000x16xf32, #tpu.memory_space<vmem_shared>>, %arg9: memref<625x64xf32, #tpu.memory_space<vmem>>, %arg10: memref<625x16xf32, #tpu.memory_space<vmem>>, %arg11: memref<80x64xf32, #tpu.memory_space<vmem>>, %arg12: memref<80xi32, #tpu.memory_space<vmem>>, %arg13: memref<80xi32, #tpu.memory_space<vmem>>, %arg14: memref<80x16xf32, #tpu.memory_space<vmem>>, %arg15: memref<!tpu.dma_semaphore, #tpu.memory_space<semaphore_mem>>) attributes {dimension_semantics = [#tpu.dimension_semantics<core_parallel>, #tpu.dimension_semantics<subcore_parallel>], iteration_bounds = array<i64: 2, 16>, scalar_prefetch = 0 : i64, scratch_operands = 9 : i64, tpu.core_type = #tpu.core_type<sc_vector_subcore>, window_params = [{transform_indices = #map}, {transform_indices = #map}, {transform_indices = #map1}, {transform_indices = #map1}, {transform_indices = #map2}]} {
    %mul3A = arith.constant 625 : i32
    %mul3A_0 = arith.muli %arg1, %mul3A : i32
    %broadcast_in_dim3A = arith.constant 0.000000e+00 : f32
    %broadcast_in_dim3A_1 = vector.broadcast %broadcast_in_dim3A : f32 to vector<16xf32>
    %broadcast_in_dim3A_2 = arith.constant 1.000000e+00 : f32
    %broadcast_in_dim3A_3 = vector.broadcast %broadcast_in_dim3A_2 : f32 to vector<16xf32>
    %scan3A = arith.constant 0 : i32
    %scan3A_4 = arith.constant 0 : i32
    %scan3A_5 = arith.constant 625 : i32
    %scan3A_6 = arith.addi %scan3A_4, %scan3A_5 : i32
    %scan3A_7 = arith.constant 1 : i32
    scf.for %scan3A_28 = %scan3A_4 to %scan3A_6 step %scan3A_7  : i32 {
      %swap3A = arith.index_cast %scan3A_28 : i32 to index
      %swap3A_29 = arith.constant 0 : index
      %swap3A_30 = tpu.vector_load %arg9[%swap3A, %swap3A_29] {strides = array<i32>} : memref<625x64xf32, #tpu.memory_space<vmem>>, vector<1x16xf32>,
      %swap3A_31 = vector.shape_cast %swap3A_30 : vector<1x16xf32> to vector<16xf32>
      %swap3A_32 = vector.shape_cast %broadcast_in_dim3A_1 : vector<16xf32> to vector<1x16xf32>
      tpu.vector_store %arg9[%swap3A, %swap3A_29], %swap3A_32 {strides = array<i32>} : memref<625x64xf32, #tpu.memory_space<vmem>>, vector<1x16xf32>,
      %swap3A_33 = arith.index_cast %scan3A_28 : i32 to index
      %swap3A_34 = arith.constant 16 : index
      %swap3A_35 = tpu.vector_load %arg9[%swap3A_33, %swap3A_34] {strides = array<i32>} : memref<625x64xf32, #tpu.memory_space<vmem>>, vector<1x16xf32>,
      %swap3A_36 = vector.shape_cast %swap3A_35 : vector<1x16xf32> to vector<16xf32>
      %swap3A_37 = vector.shape_cast %broadcast_in_dim3A_1 : vector<16xf32> to vector<1x16xf32>
      tpu.vector_store %arg9[%swap3A_33, %swap3A_34], %swap3A_37 {strides = array<i32>} : memref<625x64xf32, #tpu.memory_space<vmem>>, vector<1x16xf32>,
      %swap3A_38 = arith.index_cast %scan3A_28 : i32 to index
      %swap3A_39 = arith.constant 32 : index
      %swap3A_40 = tpu.vector_load %arg9[%swap3A_38, %swap3A_39] {strides = array<i32>} : memref<625x64xf32, #tpu.memory_space<vmem>>, vector<1x16xf32>,
      %swap3A_41 = vector.shape_cast %swap3A_40 : vector<1x16xf32> to vector<16xf32>
      %swap3A_42 = vector.shape_cast %broadcast_in_dim3A_1 : vector<16xf32> to vector<1x16xf32>
      tpu.vector_store %arg9[%swap3A_38, %swap3A_39], %swap3A_42 {strides = array<i32>} : memref<625x64xf32, #tpu.memory_space<vmem>>, vector<1x16xf32>,
      %swap3A_43 = arith.index_cast %scan3A_28 : i32 to index
      %swap3A_44 = arith.constant 48 : index
      %swap3A_45 = tpu.vector_load %arg9[%swap3A_43, %swap3A_44] {strides = array<i32>} : memref<625x64xf32, #tpu.memory_space<vmem>>, vector<1x16xf32>,
      %swap3A_46 = vector.shape_cast %swap3A_45 : vector<1x16xf32> to vector<16xf32>
      %swap3A_47 = vector.shape_cast %broadcast_in_dim3A_1 : vector<16xf32> to vector<1x16xf32>
      tpu.vector_store %arg9[%swap3A_43, %swap3A_44], %swap3A_47 {strides = array<i32>} : memref<625x64xf32, #tpu.memory_space<vmem>>, vector<1x16xf32>,
      %swap3A_48 = arith.index_cast %scan3A_28 : i32 to index
      %swap3A_49 = arith.constant 0 : index
      %swap3A_50 = tpu.vector_load %arg10[%swap3A_48, %swap3A_49] {strides = array<i32>} : memref<625x16xf32, #tpu.memory_space<vmem>>, vector<1x16xf32>,
      %swap3A_51 = vector.shape_cast %swap3A_50 : vector<1x16xf32> to vector<16xf32>
      %swap3A_52 = vector.shape_cast %broadcast_in_dim3A_1 : vector<16xf32> to vector<1x16xf32>
      tpu.vector_store %arg10[%swap3A_48, %swap3A_49], %swap3A_52 {strides = array<i32>} : memref<625x16xf32, #tpu.memory_space<vmem>>, vector<1x16xf32>,
    }
    %scan3A_8 = arith.constant 625 : i32
    %scan3A_9 = arith.constant 0 : i32
    %scan3A_10 = arith.constant 0 : i32
    %scan3A_11 = arith.constant 80 : i32
    %scan3A_12 = arith.addi %scan3A_10, %scan3A_11 : i32
    %scan3A_13 = arith.constant 1 : i32
    scf.for %scan3A_28 = %scan3A_10 to %scan3A_12 step %scan3A_13  : i32 {
      %swap3A = arith.index_cast %scan3A_28 : i32 to index
      %swap3A_29 = arith.constant 0 : index
      %swap3A_30 = tpu.vector_load %arg14[%swap3A, %swap3A_29] {strides = array<i32>} : memref<80x16xf32, #tpu.memory_space<vmem>>, vector<1x16xf32>,
      %swap3A_31 = vector.shape_cast %swap3A_30 : vector<1x16xf32> to vector<16xf32>
      %swap3A_32 = vector.shape_cast %broadcast_in_dim3A_3 : vector<16xf32> to vector<1x16xf32>
      tpu.vector_store %arg14[%swap3A, %swap3A_29], %swap3A_32 {strides = array<i32>} : memref<80x16xf32, #tpu.memory_space<vmem>>, vector<1x16xf32>,
    }
    %scan3A_14 = arith.constant 80 : i32
    "tpu.region"() ({
      %run_scoped3A = tpu.sem_alloc : memref<!tpu.dma_semaphore, #tpu.memory_space<semaphore_mem>>
      %dma_start3A = arith.constant 0 : i32
      %dma_start3A_28 = tpu.memref_slice %arg7[%mul3A_0, %dma_start3A] : memref<10000x64xf32, #tpu.memory_space<vmem_shared>> -> memref<625x64xf32, #tpu.memory_space<vmem_shared>>
      %dma_start3A_29 = arith.constant 0 : i32
      %dma_start3A_30 = tpu.memref_slice %arg7[%mul3A_0, %dma_start3A_29] : memref<10000x64xf32, #tpu.memory_space<vmem_shared>> -> memref<625x64xf32, #tpu.memory_space<vmem_shared>>
      tpu.enqueue_dma source(%arg9 : memref<625x64xf32, #tpu.memory_space<vmem>>) target(%dma_start3A_30 : memref<625x64xf32, #tpu.memory_space<vmem_shared>>) target_semaphore(%run_scoped3A : memref<!tpu.dma_semaphore, #tpu.memory_space<semaphore_mem>>)
      %dma_wait3A = arith.constant 0 : i32
      %dma_wait3A_31 = tpu.memref_slice %arg7[%mul3A_0, %dma_wait3A] : memref<10000x64xf32, #tpu.memory_space<vmem_shared>> -> memref<625x64xf32, #tpu.memory_space<vmem_shared>>
      %dma_wait3A_32 = arith.constant 0 : i32
      %dma_wait3A_33 = tpu.memref_slice %arg7[%mul3A_0, %dma_wait3A_32] : memref<10000x64xf32, #tpu.memory_space<vmem_shared>> -> memref<625x64xf32, #tpu.memory_space<vmem_shared>>
      tpu.wait_dma2 semaphore(%run_scoped3A : memref<!tpu.dma_semaphore, #tpu.memory_space<semaphore_mem>>) src(%arg9 : memref<625x64xf32, #tpu.memory_space<vmem>>) dst(%dma_wait3A_33 : memref<625x64xf32, #tpu.memory_space<vmem_shared>>)
      tpu.yield
    }) : () -> ()
    "tpu.region"() ({
      %run_scoped3A = tpu.sem_alloc : memref<!tpu.dma_semaphore, #tpu.memory_space<semaphore_mem>>
      %dma_start3A = arith.constant 0 : i32
      %dma_start3A_28 = tpu.memref_slice %arg8[%mul3A_0, %dma_start3A] : memref<10000x16xf32, #tpu.memory_space<vmem_shared>> -> memref<625x16xf32, #tpu.memory_space<vmem_shared>>
      %dma_start3A_29 = arith.constant 0 : i32
      %dma_start3A_30 = tpu.memref_slice %arg8[%mul3A_0, %dma_start3A_29] : memref<10000x16xf32, #tpu.memory_space<vmem_shared>> -> memref<625x16xf32, #tpu.memory_space<vmem_shared>>
      tpu.enqueue_dma source(%arg10 : memref<625x16xf32, #tpu.memory_space<vmem>>) target(%dma_start3A_30 : memref<625x16xf32, #tpu.memory_space<vmem_shared>>) target_semaphore(%run_scoped3A : memref<!tpu.dma_semaphore, #tpu.memory_space<semaphore_mem>>)
      %dma_wait3A = arith.constant 0 : i32
      %dma_wait3A_31 = tpu.memref_slice %arg8[%mul3A_0, %dma_wait3A] : memref<10000x16xf32, #tpu.memory_space<vmem_shared>> -> memref<625x16xf32, #tpu.memory_space<vmem_shared>>
      %dma_wait3A_32 = arith.constant 0 : i32
      %dma_wait3A_33 = tpu.memref_slice %arg8[%mul3A_0, %dma_wait3A_32] : memref<10000x16xf32, #tpu.memory_space<vmem_shared>> -> memref<625x16xf32, #tpu.memory_space<vmem_shared>>
      tpu.wait_dma2 semaphore(%run_scoped3A : memref<!tpu.dma_semaphore, #tpu.memory_space<semaphore_mem>>) src(%arg10 : memref<625x16xf32, #tpu.memory_space<vmem>>) dst(%dma_wait3A_33 : memref<625x16xf32, #tpu.memory_space<vmem_shared>>)
      tpu.yield
    }) : () -> ()
    %barrier3A = arith.constant 0 : index
    tpu.barrier barrier_id(%barrier3A)
    %eq3A = arith.constant 0 : i32
    %eq3A_15 = arith.cmpi eq, %arg0, %eq3A : i32
    %convert_element_type3A = arith.extui %eq3A_15 : i1 to i32
    %cond3A = arith.constant 0 : i32
    %cond3A_16 = arith.cmpi ne, %convert_element_type3A, %cond3A : i32
    scf.if %cond3A_16 {
      %mul3A_28 = arith.constant 20000 : i32
      %mul3A_29 = arith.muli %arg1, %mul3A_28 : i32
      %scan3A_30 = arith.constant 0 : i32
      %scan3A_31 = arith.constant 0 : i32
      %scan3A_32 = arith.constant 250 : i32
      %scan3A_33 = arith.addi %scan3A_31, %scan3A_32 : i32
      %scan3A_34 = arith.constant 1 : i32
      scf.for %scan3A_36 = %scan3A_31 to %scan3A_33 step %scan3A_34  : i32 {
        %mul3A_37 = arith.constant 80 : i32
        %mul3A_38 = arith.muli %scan3A_36, %mul3A_37 : i32
        %add3A = arith.addi %mul3A_29, %mul3A_38 : i32
        "tpu.region"() ({
          %run_scoped3A = tpu.sem_alloc : memref<!tpu.dma_semaphore, #tpu.memory_space<semaphore_mem>>
          %dma_start3A_43 = tpu.memref_slice %arg4[%add3A] : memref<320000xi32, #tpu.memory_space<hbm>> -> memref<80xi32, #tpu.memory_space<hbm>>
          %dma_start3A_44 = tpu.memref_slice %arg4[%add3A] : memref<320000xi32, #tpu.memory_space<hbm>> -> memref<80xi32, #tpu.memory_space<hbm>>
          tpu.enqueue_dma source(%dma_start3A_44 : memref<80xi32, #tpu.memory_space<hbm>>) target(%arg12 : memref<80xi32, #tpu.memory_space<vmem>>) target_semaphore(%run_scoped3A : memref<!tpu.dma_semaphore, #tpu.memory_space<semaphore_mem>>)
          %dma_wait3A_45 = tpu.memref_slice %arg4[%add3A] : memref<320000xi32, #tpu.memory_space<hbm>> -> memref<80xi32, #tpu.memory_space<hbm>>
          %dma_wait3A_46 = tpu.memref_slice %arg4[%add3A] : memref<320000xi32, #tpu.memory_space<hbm>> -> memref<80xi32, #tpu.memory_space<hbm>>
          tpu.wait_dma2 semaphore(%run_scoped3A : memref<!tpu.dma_semaphore, #tpu.memory_space<semaphore_mem>>) src(%dma_wait3A_46 : memref<80xi32, #tpu.memory_space<hbm>>) dst(%arg12 : memref<80xi32, #tpu.memory_space<vmem>>)
          tpu.yield
        }) : () -> ()
        "tpu.region"() ({
          %run_scoped3A = tpu.sem_alloc : memref<!tpu.dma_semaphore, #tpu.memory_space<semaphore_mem>>
          %dma_start3A_43 = tpu.memref_slice %arg5[%add3A] : memref<320000xi32, #tpu.memory_space<hbm>> -> memref<80xi32, #tpu.memory_space<hbm>>
          %dma_start3A_44 = tpu.memref_slice %arg5[%add3A] : memref<320000xi32, #tpu.memory_space<hbm>> -> memref<80xi32, #tpu.memory_space<hbm>>
          tpu.enqueue_dma source(%dma_start3A_44 : memref<80xi32, #tpu.memory_space<hbm>>) target(%arg13 : memref<80xi32, #tpu.memory_space<vmem>>) target_semaphore(%run_scoped3A : memref<!tpu.dma_semaphore, #tpu.memory_space<semaphore_mem>>)
          %dma_wait3A_45 = tpu.memref_slice %arg5[%add3A] : memref<320000xi32, #tpu.memory_space<hbm>> -> memref<80xi32, #tpu.memory_space<hbm>>
          %dma_wait3A_46 = tpu.memref_slice %arg5[%add3A] : memref<320000xi32, #tpu.memory_space<hbm>> -> memref<80xi32, #tpu.memory_space<hbm>>
          tpu.wait_dma2 semaphore(%run_scoped3A : memref<!tpu.dma_semaphore, #tpu.memory_space<semaphore_mem>>) src(%dma_wait3A_46 : memref<80xi32, #tpu.memory_space<hbm>>) dst(%arg13 : memref<80xi32, #tpu.memory_space<vmem>>)
          tpu.yield
        }) : () -> ()
        %dma_start3A = arith.constant 0 : i32
        %dma_start3A_39 = arith.constant 0 : i32
        %dma_start3A_40 = tpu.memref_slice %arg2[%dma_start3A, %dma_start3A_39] : memref<10000x64xf32, #tpu.memory_space<hbm>> -> memref<10000x64xf32, #tpu.memory_space<hbm>>
        tpu.enqueue_indirect_dma source(%dma_start3A_40 : memref<10000x64xf32, #tpu.memory_space<hbm>>) target(%arg11 : memref<80x64xf32, #tpu.memory_space<vmem>>) offsets(%arg12 : memref<80xi32, #tpu.memory_space<vmem>>) semaphore(%arg15 : memref<!tpu.dma_semaphore, #tpu.memory_space<semaphore_mem>>)
        %dma_wait3A = arith.constant 0 : i32
        %dma_wait3A_41 = arith.constant 0 : i32
        %dma_wait3A_42 = tpu.memref_slice %arg2[%dma_wait3A, %dma_wait3A_41] : memref<10000x64xf32, #tpu.memory_space<hbm>> -> memref<10000x64xf32, #tpu.memory_space<hbm>>
        tpu.wait_indirect_dma semaphore(%arg15 : memref<!tpu.dma_semaphore, #tpu.memory_space<semaphore_mem>>) src(%dma_wait3A_42 : memref<10000x64xf32, #tpu.memory_space<hbm>>) dst(%arg11 : memref<80x64xf32, #tpu.memory_space<vmem>>)
        "tpu.region"() ({
          %run_scoped3A = tpu.sem_alloc : memref<!tpu.dma_semaphore, #tpu.memory_space<semaphore_mem>>
          %dma_start3A_43 = arith.constant 0 : i32
          %dma_start3A_44 = arith.constant 0 : i32
          %dma_start3A_45 = tpu.memref_slice %arg7[%dma_start3A_43, %dma_start3A_44] : memref<10000x64xf32, #tpu.memory_space<vmem_shared>> -> memref<10000x64xf32, #tpu.memory_space<vmem_shared>>
          tpu.enqueue_indirect_dma source(%arg11 : memref<80x64xf32, #tpu.memory_space<vmem>>) target(%dma_start3A_45 : memref<10000x64xf32, #tpu.memory_space<vmem_shared>>) offsets(%arg13 : memref<80xi32, #tpu.memory_space<vmem>>) semaphore(%run_scoped3A : memref<!tpu.dma_semaphore, #tpu.memory_space<semaphore_mem>>) {add = true}
          %dma_wait3A_46 = arith.constant 0 : i32
          %dma_wait3A_47 = arith.constant 0 : i32
          %dma_wait3A_48 = tpu.memref_slice %arg7[%dma_wait3A_46, %dma_wait3A_47] : memref<10000x64xf32, #tpu.memory_space<vmem_shared>> -> memref<10000x64xf32, #tpu.memory_space<vmem_shared>>
          tpu.wait_indirect_dma semaphore(%run_scoped3A : memref<!tpu.dma_semaphore, #tpu.memory_space<semaphore_mem>>) src(%arg11 : memref<80x64xf32, #tpu.memory_space<vmem>>) dst(%dma_wait3A_48 : memref<10000x64xf32, #tpu.memory_space<vmem_shared>>)
          tpu.yield
        }) : () -> ()
        "tpu.region"() ({
          %run_scoped3A = tpu.sem_alloc : memref<!tpu.dma_semaphore, #tpu.memory_space<semaphore_mem>>
          %dma_start3A_43 = arith.constant 0 : i32
          %dma_start3A_44 = arith.constant 0 : i32
          %dma_start3A_45 = tpu.memref_slice %arg8[%dma_start3A_43, %dma_start3A_44] : memref<10000x16xf32, #tpu.memory_space<vmem_shared>> -> memref<10000x16xf32, #tpu.memory_space<vmem_shared>>
          tpu.enqueue_indirect_dma source(%arg14 : memref<80x16xf32, #tpu.memory_space<vmem>>) target(%dma_start3A_45 : memref<10000x16xf32, #tpu.memory_space<vmem_shared>>) offsets(%arg13 : memref<80xi32, #tpu.memory_space<vmem>>) semaphore(%run_scoped3A : memref<!tpu.dma_semaphore, #tpu.memory_space<semaphore_mem>>) {add = true}
          %dma_wait3A_46 = arith.constant 0 : i32
          %dma_wait3A_47 = arith.constant 0 : i32
          %dma_wait3A_48 = tpu.memref_slice %arg8[%dma_wait3A_46, %dma_wait3A_47] : memref<10000x16xf32, #tpu.memory_space<vmem_shared>> -> memref<10000x16xf32, #tpu.memory_space<vmem_shared>>
          tpu.wait_indirect_dma semaphore(%run_scoped3A : memref<!tpu.dma_semaphore, #tpu.memory_space<semaphore_mem>>) src(%arg14 : memref<80x16xf32, #tpu.memory_space<vmem>>) dst(%dma_wait3A_48 : memref<10000x16xf32, #tpu.memory_space<vmem_shared>>)
          tpu.yield
        }) : () -> ()
      }
      %scan3A_35 = arith.constant 250 : i32
    } else {
    }
    %ne3A = arith.constant 0 : i32
    %ne3A_17 = arith.cmpi ne, %arg0, %ne3A : i32
    %convert_element_type3A_18 = arith.extui %ne3A_17 : i1 to i32
    %cond3A_19 = arith.constant 0 : i32
    %cond3A_20 = arith.cmpi ne, %convert_element_type3A_18, %cond3A_19 : i32
    scf.if %cond3A_20 {
      %mul3A_28 = arith.constant 20000 : i32
      %mul3A_29 = arith.muli %arg1, %mul3A_28 : i32
      %scan3A_30 = arith.constant 0 : i32
      %scan3A_31 = arith.constant 0 : i32
      %scan3A_32 = arith.constant 250 : i32
      %scan3A_33 = arith.addi %scan3A_31, %scan3A_32 : i32
      %scan3A_34 = arith.constant 1 : i32
      scf.for %scan3A_36 = %scan3A_31 to %scan3A_33 step %scan3A_34  : i32 {
        %mul3A_37 = arith.constant 80 : i32
        %mul3A_38 = arith.muli %scan3A_36, %mul3A_37 : i32
        %add3A = arith.addi %mul3A_29, %mul3A_38 : i32
        "tpu.region"() ({
          %run_scoped3A = tpu.sem_alloc : memref<!tpu.dma_semaphore, #tpu.memory_space<semaphore_mem>>
          %dma_start3A_43 = tpu.memref_slice %arg4[%add3A] : memref<320000xi32, #tpu.memory_space<hbm>> -> memref<80xi32, #tpu.memory_space<hbm>>
          %dma_start3A_44 = tpu.memref_slice %arg4[%add3A] : memref<320000xi32, #tpu.memory_space<hbm>> -> memref<80xi32, #tpu.memory_space<hbm>>
          tpu.enqueue_dma source(%dma_start3A_44 : memref<80xi32, #tpu.memory_space<hbm>>) target(%arg12 : memref<80xi32, #tpu.memory_space<vmem>>) target_semaphore(%run_scoped3A : memref<!tpu.dma_semaphore, #tpu.memory_space<semaphore_mem>>)
          %dma_wait3A_45 = tpu.memref_slice %arg4[%add3A] : memref<320000xi32, #tpu.memory_space<hbm>> -> memref<80xi32, #tpu.memory_space<hbm>>
          %dma_wait3A_46 = tpu.memref_slice %arg4[%add3A] : memref<320000xi32, #tpu.memory_space<hbm>> -> memref<80xi32, #tpu.memory_space<hbm>>
          tpu.wait_dma2 semaphore(%run_scoped3A : memref<!tpu.dma_semaphore, #tpu.memory_space<semaphore_mem>>) src(%dma_wait3A_46 : memref<80xi32, #tpu.memory_space<hbm>>) dst(%arg12 : memref<80xi32, #tpu.memory_space<vmem>>)
          tpu.yield
        }) : () -> ()
        "tpu.region"() ({
          %run_scoped3A = tpu.sem_alloc : memref<!tpu.dma_semaphore, #tpu.memory_space<semaphore_mem>>
          %dma_start3A_43 = tpu.memref_slice %arg5[%add3A] : memref<320000xi32, #tpu.memory_space<hbm>> -> memref<80xi32, #tpu.memory_space<hbm>>
          %dma_start3A_44 = tpu.memref_slice %arg5[%add3A] : memref<320000xi32, #tpu.memory_space<hbm>> -> memref<80xi32, #tpu.memory_space<hbm>>
          tpu.enqueue_dma source(%dma_start3A_44 : memref<80xi32, #tpu.memory_space<hbm>>) target(%arg13 : memref<80xi32, #tpu.memory_space<vmem>>) target_semaphore(%run_scoped3A : memref<!tpu.dma_semaphore, #tpu.memory_space<semaphore_mem>>)
          %dma_wait3A_45 = tpu.memref_slice %arg5[%add3A] : memref<320000xi32, #tpu.memory_space<hbm>> -> memref<80xi32, #tpu.memory_space<hbm>>
          %dma_wait3A_46 = tpu.memref_slice %arg5[%add3A] : memref<320000xi32, #tpu.memory_space<hbm>> -> memref<80xi32, #tpu.memory_space<hbm>>
          tpu.wait_dma2 semaphore(%run_scoped3A : memref<!tpu.dma_semaphore, #tpu.memory_space<semaphore_mem>>) src(%dma_wait3A_46 : memref<80xi32, #tpu.memory_space<hbm>>) dst(%arg13 : memref<80xi32, #tpu.memory_space<vmem>>)
          tpu.yield
        }) : () -> ()
        %dma_start3A = arith.constant 0 : i32
        %dma_start3A_39 = arith.constant 0 : i32
        %dma_start3A_40 = tpu.memref_slice %arg3[%dma_start3A, %dma_start3A_39] : memref<10000x64xf32, #tpu.memory_space<hbm>> -> memref<10000x64xf32, #tpu.memory_space<hbm>>
        tpu.enqueue_indirect_dma source(%dma_start3A_40 : memref<10000x64xf32, #tpu.memory_space<hbm>>) target(%arg11 : memref<80x64xf32, #tpu.memory_space<vmem>>) offsets(%arg12 : memref<80xi32, #tpu.memory_space<vmem>>) semaphore(%arg15 : memref<!tpu.dma_semaphore, #tpu.memory_space<semaphore_mem>>)
        %dma_wait3A = arith.constant 0 : i32
        %dma_wait3A_41 = arith.constant 0 : i32
        %dma_wait3A_42 = tpu.memref_slice %arg3[%dma_wait3A, %dma_wait3A_41] : memref<10000x64xf32, #tpu.memory_space<hbm>> -> memref<10000x64xf32, #tpu.memory_space<hbm>>
        tpu.wait_indirect_dma semaphore(%arg15 : memref<!tpu.dma_semaphore, #tpu.memory_space<semaphore_mem>>) src(%dma_wait3A_42 : memref<10000x64xf32, #tpu.memory_space<hbm>>) dst(%arg11 : memref<80x64xf32, #tpu.memory_space<vmem>>)
        "tpu.region"() ({
          %run_scoped3A = tpu.sem_alloc : memref<!tpu.dma_semaphore, #tpu.memory_space<semaphore_mem>>
          %dma_start3A_43 = arith.constant 0 : i32
          %dma_start3A_44 = arith.constant 0 : i32
          %dma_start3A_45 = tpu.memref_slice %arg7[%dma_start3A_43, %dma_start3A_44] : memref<10000x64xf32, #tpu.memory_space<vmem_shared>> -> memref<10000x64xf32, #tpu.memory_space<vmem_shared>>
          tpu.enqueue_indirect_dma source(%arg11 : memref<80x64xf32, #tpu.memory_space<vmem>>) target(%dma_start3A_45 : memref<10000x64xf32, #tpu.memory_space<vmem_shared>>) offsets(%arg13 : memref<80xi32, #tpu.memory_space<vmem>>) semaphore(%run_scoped3A : memref<!tpu.dma_semaphore, #tpu.memory_space<semaphore_mem>>) {add = true}
          %dma_wait3A_46 = arith.constant 0 : i32
          %dma_wait3A_47 = arith.constant 0 : i32
          %dma_wait3A_48 = tpu.memref_slice %arg7[%dma_wait3A_46, %dma_wait3A_47] : memref<10000x64xf32, #tpu.memory_space<vmem_shared>> -> memref<10000x64xf32, #tpu.memory_space<vmem_shared>>
          tpu.wait_indirect_dma semaphore(%run_scoped3A : memref<!tpu.dma_semaphore, #tpu.memory_space<semaphore_mem>>) src(%arg11 : memref<80x64xf32, #tpu.memory_space<vmem>>) dst(%dma_wait3A_48 : memref<10000x64xf32, #tpu.memory_space<vmem_shared>>)
          tpu.yield
        }) : () -> ()
        "tpu.region"() ({
          %run_scoped3A = tpu.sem_alloc : memref<!tpu.dma_semaphore, #tpu.memory_space<semaphore_mem>>
          %dma_start3A_43 = arith.constant 0 : i32
          %dma_start3A_44 = arith.constant 0 : i32
          %dma_start3A_45 = tpu.memref_slice %arg8[%dma_start3A_43, %dma_start3A_44] : memref<10000x16xf32, #tpu.memory_space<vmem_shared>> -> memref<10000x16xf32, #tpu.memory_space<vmem_shared>>
          tpu.enqueue_indirect_dma source(%arg14 : memref<80x16xf32, #tpu.memory_space<vmem>>) target(%dma_start3A_45 : memref<10000x16xf32, #tpu.memory_space<vmem_shared>>) offsets(%arg13 : memref<80xi32, #tpu.memory_space<vmem>>) semaphore(%run_scoped3A : memref<!tpu.dma_semaphore, #tpu.memory_space<semaphore_mem>>) {add = true}
          %dma_wait3A_46 = arith.constant 0 : i32
          %dma_wait3A_47 = arith.constant 0 : i32
          %dma_wait3A_48 = tpu.memref_slice %arg8[%dma_wait3A_46, %dma_wait3A_47] : memref<10000x16xf32, #tpu.memory_space<vmem_shared>> -> memref<10000x16xf32, #tpu.memory_space<vmem_shared>>
          tpu.wait_indirect_dma semaphore(%run_scoped3A : memref<!tpu.dma_semaphore, #tpu.memory_space<semaphore_mem>>) src(%arg14 : memref<80x16xf32, #tpu.memory_space<vmem>>) dst(%dma_wait3A_48 : memref<10000x16xf32, #tpu.memory_space<vmem_shared>>)
          tpu.yield
        }) : () -> ()
      }
      %scan3A_35 = arith.constant 250 : i32
    } else {
    }
    %barrier3A_21 = arith.constant 0 : index
    tpu.barrier barrier_id(%barrier3A_21)
    "tpu.region"() ({
      %run_scoped3A = tpu.sem_alloc : memref<!tpu.dma_semaphore, #tpu.memory_space<semaphore_mem>>
      %dma_start3A = arith.constant 0 : i32
      %dma_start3A_28 = tpu.memref_slice %arg7[%mul3A_0, %dma_start3A] : memref<10000x64xf32, #tpu.memory_space<vmem_shared>> -> memref<625x64xf32, #tpu.memory_space<vmem_shared>>
      %dma_start3A_29 = arith.constant 0 : i32
      %dma_start3A_30 = tpu.memref_slice %arg7[%mul3A_0, %dma_start3A_29] : memref<10000x64xf32, #tpu.memory_space<vmem_shared>> -> memref<625x64xf32, #tpu.memory_space<vmem_shared>>
      tpu.enqueue_dma source(%dma_start3A_30 : memref<625x64xf32, #tpu.memory_space<vmem_shared>>) target(%arg9 : memref<625x64xf32, #tpu.memory_space<vmem>>) target_semaphore(%run_scoped3A : memref<!tpu.dma_semaphore, #tpu.memory_space<semaphore_mem>>)
      %dma_wait3A = arith.constant 0 : i32
      %dma_wait3A_31 = tpu.memref_slice %arg7[%mul3A_0, %dma_wait3A] : memref<10000x64xf32, #tpu.memory_space<vmem_shared>> -> memref<625x64xf32, #tpu.memory_space<vmem_shared>>
      %dma_wait3A_32 = arith.constant 0 : i32
      %dma_wait3A_33 = tpu.memref_slice %arg7[%mul3A_0, %dma_wait3A_32] : memref<10000x64xf32, #tpu.memory_space<vmem_shared>> -> memref<625x64xf32, #tpu.memory_space<vmem_shared>>
      tpu.wait_dma2 semaphore(%run_scoped3A : memref<!tpu.dma_semaphore, #tpu.memory_space<semaphore_mem>>) src(%dma_wait3A_33 : memref<625x64xf32, #tpu.memory_space<vmem_shared>>) dst(%arg9 : memref<625x64xf32, #tpu.memory_space<vmem>>)
      tpu.yield
    }) : () -> ()
    "tpu.region"() ({
      %run_scoped3A = tpu.sem_alloc : memref<!tpu.dma_semaphore, #tpu.memory_space<semaphore_mem>>
      %dma_start3A = arith.constant 0 : i32
      %dma_start3A_28 = tpu.memref_slice %arg8[%mul3A_0, %dma_start3A] : memref<10000x16xf32, #tpu.memory_space<vmem_shared>> -> memref<625x16xf32, #tpu.memory_space<vmem_shared>>
      %dma_start3A_29 = arith.constant 0 : i32
      %dma_start3A_30 = tpu.memref_slice %arg8[%mul3A_0, %dma_start3A_29] : memref<10000x16xf32, #tpu.memory_space<vmem_shared>> -> memref<625x16xf32, #tpu.memory_space<vmem_shared>>
      tpu.enqueue_dma source(%dma_start3A_30 : memref<625x16xf32, #tpu.memory_space<vmem_shared>>) target(%arg10 : memref<625x16xf32, #tpu.memory_space<vmem>>) target_semaphore(%run_scoped3A : memref<!tpu.dma_semaphore, #tpu.memory_space<semaphore_mem>>)
      %dma_wait3A = arith.constant 0 : i32
      %dma_wait3A_31 = tpu.memref_slice %arg8[%mul3A_0, %dma_wait3A] : memref<10000x16xf32, #tpu.memory_space<vmem_shared>> -> memref<625x16xf32, #tpu.memory_space<vmem_shared>>
      %dma_wait3A_32 = arith.constant 0 : i32
      %dma_wait3A_33 = tpu.memref_slice %arg8[%mul3A_0, %dma_wait3A_32] : memref<10000x16xf32, #tpu.memory_space<vmem_shared>> -> memref<625x16xf32, #tpu.memory_space<vmem_shared>>
      tpu.wait_dma2 semaphore(%run_scoped3A : memref<!tpu.dma_semaphore, #tpu.memory_space<semaphore_mem>>) src(%dma_wait3A_33 : memref<625x16xf32, #tpu.memory_space<vmem_shared>>) dst(%arg10 : memref<625x16xf32, #tpu.memory_space<vmem>>)
      tpu.yield
    }) : () -> ()
    %scan3A_22 = arith.constant 0 : i32
    %scan3A_23 = arith.constant 0 : i32
    %scan3A_24 = arith.constant 625 : i32
    %scan3A_25 = arith.addi %scan3A_23, %scan3A_24 : i32
    %scan3A_26 = arith.constant 1 : i32
    scf.for %scan3A_28 = %scan3A_23 to %scan3A_25 step %scan3A_26  : i32 {
      %get3A = arith.index_cast %scan3A_28 : i32 to index
      %get3A_29 = arith.constant 0 : index
      %get3A_30 = tpu.vector_load %arg10[%get3A, %get3A_29] {strides = array<i32>} : memref<625x16xf32, #tpu.memory_space<vmem>>, vector<1x16xf32>,
      %get3A_31 = vector.shape_cast %get3A_30 : vector<1x16xf32> to vector<16xf32>
      %max3A = arith.constant 1.000000e+00 : f32
      %max3A_32 = vector.broadcast %max3A : f32 to vector<16xf32>
      %max3A_33 = arith.maximumf %get3A_31, %max3A_32 : vector<16xf32>
      %div3A = arith.constant 1.000000e+00 : f32
      %div3A_34 = vector.broadcast %div3A : f32 to vector<16xf32>
      %div3A_35 = arith.divf %div3A_34, %max3A_33 : vector<16xf32>
      %get3A_36 = arith.index_cast %scan3A_28 : i32 to index
      %get3A_37 = arith.constant 0 : index
      %get3A_38 = tpu.vector_load %arg9[%get3A_36, %get3A_37] {strides = array<i32>} : memref<625x64xf32, #tpu.memory_space<vmem>>, vector<1x16xf32>,
      %get3A_39 = vector.shape_cast %get3A_38 : vector<1x16xf32> to vector<16xf32>
      %mul3A_40 = arith.mulf %get3A_39, %div3A_35 : vector<16xf32>
      %swap3A = arith.index_cast %scan3A_28 : i32 to index
      %swap3A_41 = arith.constant 0 : index
      %swap3A_42 = tpu.vector_load %arg9[%swap3A, %swap3A_41] {strides = array<i32>} : memref<625x64xf32, #tpu.memory_space<vmem>>, vector<1x16xf32>,
      %swap3A_43 = vector.shape_cast %swap3A_42 : vector<1x16xf32> to vector<16xf32>
      %swap3A_44 = vector.shape_cast %mul3A_40 : vector<16xf32> to vector<1x16xf32>
      tpu.vector_store %arg9[%swap3A, %swap3A_41], %swap3A_44 {strides = array<i32>} : memref<625x64xf32, #tpu.memory_space<vmem>>, vector<1x16xf32>,
      %get3A_45 = arith.index_cast %scan3A_28 : i32 to index
      %get3A_46 = arith.constant 16 : index
      %get3A_47 = tpu.vector_load %arg9[%get3A_45, %get3A_46] {strides = array<i32>} : memref<625x64xf32, #tpu.memory_space<vmem>>, vector<1x16xf32>,
      %get3A_48 = vector.shape_cast %get3A_47 : vector<1x16xf32> to vector<16xf32>
      %mul3A_49 = arith.mulf %get3A_48, %div3A_35 : vector<16xf32>
      %swap3A_50 = arith.index_cast %scan3A_28 : i32 to index
      %swap3A_51 = arith.constant 16 : index
      %swap3A_52 = tpu.vector_load %arg9[%swap3A_50, %swap3A_51] {strides = array<i32>} : memref<625x64xf32, #tpu.memory_space<vmem>>, vector<1x16xf32>,
      %swap3A_53 = vector.shape_cast %swap3A_52 : vector<1x16xf32> to vector<16xf32>
      %swap3A_54 = vector.shape_cast %mul3A_49 : vector<16xf32> to vector<1x16xf32>
      tpu.vector_store %arg9[%swap3A_50, %swap3A_51], %swap3A_54 {strides = array<i32>} : memref<625x64xf32, #tpu.memory_space<vmem>>, vector<1x16xf32>,
      %get3A_55 = arith.index_cast %scan3A_28 : i32 to index
      %get3A_56 = arith.constant 32 : index
      %get3A_57 = tpu.vector_load %arg9[%get3A_55, %get3A_56] {strides = array<i32>} : memref<625x64xf32, #tpu.memory_space<vmem>>, vector<1x16xf32>,
      %get3A_58 = vector.shape_cast %get3A_57 : vector<1x16xf32> to vector<16xf32>
      %mul3A_59 = arith.mulf %get3A_58, %div3A_35 : vector<16xf32>
      %swap3A_60 = arith.index_cast %scan3A_28 : i32 to index
      %swap3A_61 = arith.constant 32 : index
      %swap3A_62 = tpu.vector_load %arg9[%swap3A_60, %swap3A_61] {strides = array<i32>} : memref<625x64xf32, #tpu.memory_space<vmem>>, vector<1x16xf32>,
      %swap3A_63 = vector.shape_cast %swap3A_62 : vector<1x16xf32> to vector<16xf32>
      %swap3A_64 = vector.shape_cast %mul3A_59 : vector<16xf32> to vector<1x16xf32>
      tpu.vector_store %arg9[%swap3A_60, %swap3A_61], %swap3A_64 {strides = array<i32>} : memref<625x64xf32, #tpu.memory_space<vmem>>, vector<1x16xf32>,
      %get3A_65 = arith.index_cast %scan3A_28 : i32 to index
      %get3A_66 = arith.constant 48 : index
      %get3A_67 = tpu.vector_load %arg9[%get3A_65, %get3A_66] {strides = array<i32>} : memref<625x64xf32, #tpu.memory_space<vmem>>, vector<1x16xf32>,
      %get3A_68 = vector.shape_cast %get3A_67 : vector<1x16xf32> to vector<16xf32>
      %mul3A_69 = arith.mulf %get3A_68, %div3A_35 : vector<16xf32>
      %swap3A_70 = arith.index_cast %scan3A_28 : i32 to index
      %swap3A_71 = arith.constant 48 : index
      %swap3A_72 = tpu.vector_load %arg9[%swap3A_70, %swap3A_71] {strides = array<i32>} : memref<625x64xf32, #tpu.memory_space<vmem>>, vector<1x16xf32>,
      %swap3A_73 = vector.shape_cast %swap3A_72 : vector<1x16xf32> to vector<16xf32>
      %swap3A_74 = vector.shape_cast %mul3A_69 : vector<16xf32> to vector<1x16xf32>
      tpu.vector_store %arg9[%swap3A_70, %swap3A_71], %swap3A_74 {strides = array<i32>} : memref<625x64xf32, #tpu.memory_space<vmem>>, vector<1x16xf32>,
    }
    %scan3A_27 = arith.constant 625 : i32
    "tpu.region"() ({
      %run_scoped3A = tpu.sem_alloc : memref<!tpu.dma_semaphore, #tpu.memory_space<semaphore_mem>>
      %dma_start3A = arith.constant 0 : i32
      %dma_start3A_28 = arith.constant 0 : i32
      %dma_start3A_29 = tpu.memref_slice %arg6[%arg0, %arg1, %dma_start3A, %dma_start3A_28] : memref<2x16x625x64xf32, #tpu.memory_space<hbm>> -> memref<1x1x625x64xf32, #tpu.memory_space<hbm>>
      %dma_start3A_30 = tpu.memref_squeeze %dma_start3A_29 : memref<1x1x625x64xf32, #tpu.memory_space<hbm>> -> memref<625x64xf32, #tpu.memory_space<hbm>>
      %dma_start3A_31 = arith.constant 0 : i32
      %dma_start3A_32 = arith.constant 0 : i32
      %dma_start3A_33 = tpu.memref_slice %arg6[%arg0, %arg1, %dma_start3A_31, %dma_start3A_32] : memref<2x16x625x64xf32, #tpu.memory_space<hbm>> -> memref<1x1x625x64xf32, #tpu.memory_space<hbm>>
      %dma_start3A_34 = tpu.memref_squeeze %dma_start3A_33 : memref<1x1x625x64xf32, #tpu.memory_space<hbm>> -> memref<625x64xf32, #tpu.memory_space<hbm>>
      tpu.enqueue_dma source(%arg9 : memref<625x64xf32, #tpu.memory_space<vmem>>) target(%dma_start3A_34 : memref<625x64xf32, #tpu.memory_space<hbm>>) target_semaphore(%run_scoped3A : memref<!tpu.dma_semaphore, #tpu.memory_space<semaphore_mem>>)
      %dma_wait3A = arith.constant 0 : i32
      %dma_wait3A_35 = arith.constant 0 : i32
      %dma_wait3A_36 = tpu.memref_slice %arg6[%arg0, %arg1, %dma_wait3A, %dma_wait3A_35] : memref<2x16x625x64xf32, #tpu.memory_space<hbm>> -> memref<1x1x625x64xf32, #tpu.memory_space<hbm>>
      %dma_wait3A_37 = tpu.memref_squeeze %dma_wait3A_36 : memref<1x1x625x64xf32, #tpu.memory_space<hbm>> -> memref<625x64xf32, #tpu.memory_space<hbm>>
      %dma_wait3A_38 = arith.constant 0 : i32
      %dma_wait3A_39 = arith.constant 0 : i32
      %dma_wait3A_40 = tpu.memref_slice %arg6[%arg0, %arg1, %dma_wait3A_38, %dma_wait3A_39] : memref<2x16x625x64xf32, #tpu.memory_space<hbm>> -> memref<1x1x625x64xf32, #tpu.memory_space<hbm>>
      %dma_wait3A_41 = tpu.memref_squeeze %dma_wait3A_40 : memref<1x1x625x64xf32, #tpu.memory_space<hbm>> -> memref<625x64xf32, #tpu.memory_space<hbm>>
      tpu.wait_dma2 semaphore(%run_scoped3A : memref<!tpu.dma_semaphore, #tpu.memory_space<semaphore_mem>>) src(%arg9 : memref<625x64xf32, #tpu.memory_space<vmem>>) dst(%dma_wait3A_41 : memref<625x64xf32, #tpu.memory_space<hbm>>)
      tpu.yield
    }) : () -> ()
    return
  }
}

</mosaic_0001>

<sc_bundles>
// kernel: kernel.3.cloned.1.call-start
scs
__scs_entry_jumppad:
0x0: {  	(pc) =	sbr.rel $0x88, $3  }
0x1: {  	(tag) =	ssettag $0x0;
	lr =	simm.s32 $0x1  }
0x2: {  	[smem:$0x3F9F] =	sst lr;
	_ =	strace $0xD0000000  }
0x3: {  	_ = 	snop  }
0x4: {  	_ = 	snop  }
0x5: {  	_ = 	snop  }
0x6: {  	_ = 	snop  }
0x7: {  	_ = 	snop  }
__scs_overlays_trampoline_lowered:
0x8: {  	[smem:$0x3FAE] =	sst s0  }
0x9: {  	[smem:$0x3FAF] =	sst s1  }
0xa: {  	[smem:$0x3FB0] =	sst s2  }
0xb: {  	[smem:$0x3FB1] =	sst s3  }
0xc: {  	[smem:$0x3FB2] =	sst s4  }
0xd: {  	[smem:$0x3FB3] =	sst s5  }
0xe: {  	[smem:$0x3FB4] =	sst s6  }
0xf: {  	[smem:$0x3FB5] =	sst s7  }
0x10: {  	[smem:$0x3FB6] =	sst s8  }
0x11: {  	[smem:$0x3FB7] =	sst s9;
	s0 =	simm.s32 @!p0 $0x0  }
0x12: {  	s1 =	sld [smem:$0x3F9D];
	s0 =	simm.s32 @p0 $0x1  }
0x13: {  	[smem:$0x3FB8] =	sst s0;
	s0 =	simm.s32 @!p1 $0x0  }
0x14: {  	s2 =	sld [smem:$0x3F9C];
	s0 =	simm.s32 @p1 $0x1  }
0x15: {  	[smem:$0x3FB9] =	sst s0;
	s0 =	simm.s32 @!p2 $0x0  }
0x16: {  	s3 =	sld [smem:$0x3FDB];
	s0 =	simm.s32 @p2 $0x1  }
0x17: {  	s4 =	simm.s32 $0x1BF5;
	[smem:$0x3FBB] =	sst s0  }
0x18: {  	s0 =	sld [smem:$0x3F9E];
	_ =	swait.ge [sflag:s4], $0x0  }
0x19: {  	s7 =	sld [smem:$0x3F9F]  }
0x1a: {  	s8 =	sadd.s32 $0xFFFFE003, lr  }
0x1b: {  	s9 =	sadd.s32 $0xFFFFFEF7, lr;
	s5 =	simm.s32 $0xFFFFFFFF;
	p2 =	slt.u32 s8, $0xFFFFF086  }
0x1c: {  	p1 =	slt.u32 s9, $0xF7A;
	s5 =	simm.s32 @!p2 $0x0  }
0x1d: {  	s5 =	simm.s32 @p1 $0x1;
	p0 =	seq.s32 s7, s2  }
0x1e: {  	s7 =	smul.u32 @!p0 $0xF7A, s2;
	p2 =	seq.s32 @!p0 s5, $0x0  }
0x1f: {  	s9 =	smul.u32 $0xF7A, s1;
	s8 =	simm.s32 @!p0 $0x1BF5;
	p2 =	por !p2, p0  }
0x20: {  	[sflag:s8] =	ssyncset.s32 @!p0 $0xFFFFF086;
	s6 =	sadd.s32 @!p0 s3, s7;
	s7 =	simm.s32 @!p0 $0x108  }
0x21: {  	s3 =	sadd.s32 s3, s9;
	s6 =	sadd.s32 @!p0 $0x88, s6;
	s7 =	simm.s32 @p2 $0x1082  }
0x22: {  	[simem:s7], [sflag:s8] =	dma.local @!p0 [hbm:s6], $0xF7A  }
0x23: {  	s9 =	sor.u32 $0xD0000000, s2;
	s6 =	simm.s32 $0x108;
	_ =	swait.ge @!p0 [sflag:s8], $0x0  }
0x24: {  	s3 =	sadd.s32 $0x88, s3;
	s6 =	simm.s32 @!p1 $0x1082;
	[sflag:s4] =	ssyncset.s32 $0xFFFFF086  }
0x25: {  	[simem:s6], [sflag:s4] =	dma.local [hbm:s3], $0xF7A  }
0x26: {  	[smem:$0x3F9F] =	sst s1;
	(tag) =	ssettag s2;
	_ =	strace s9  }
0x27: {  	s1 =	sld [smem:$0x3FAF]  }
0x28: {  	s2 =	sld [smem:$0x3FB0]  }
0x29: {  	s4 =	sld [smem:$0x3FB2]  }
0x2a: {  	p0 =	seq.s32 s5, $0x0;
	s5 =	sld [smem:$0x3FB3]  }
0x2b: {  	s6 =	sld [smem:$0x3FB4]  }
0x2c: {  	s7 =	sld [smem:$0x3FB5]  }
0x2d: {  	s3 =	simm.s32 $0x108;
	s8 =	sld [smem:$0x3FB6]  }
0x2e: {  	s3 =	simm.s32 @!p0 $0x1082;
	s9 =	sld [smem:$0x3FB7]  }
0x2f: {  	lr =	sadd.s32 s0, s3;
	s0 =	sld [smem:$0x3FAE]  }
0x30: {  	s3 =	sld [smem:$0x3FB1]  }
0x31: {  	[smem:$0x3FBA] =	sst s10  }
0x32: {  	s10 =	sld [smem:$0x3FB8];
	_ =	sdelay $0x3  }
0x33: {  	p0 =	seq.s32 s10, $0x1;
	s10 =	sld [smem:$0x3FBA];
	_ =	sdelay $0x3  }
0x34: {  	[smem:$0x3FBA] =	sst s10  }
0x35: {  	s10 =	sld [smem:$0x3FB9];
	_ =	sdelay $0x3  }
0x36: {  	p1 =	seq.s32 s10, $0x1;
	s10 =	sld [smem:$0x3FBA];
	_ =	sdelay $0x3  }
0x37: {  	[smem:$0x3FBA] =	sst s10  }
0x38: {  	s10 =	sld [smem:$0x3FBB]  }
0x39: {  	_ = 	snop;
	(pc) =	sbr.ind lr, $3  }
0x3a: {  	_ = 	snop  }
0x3b: {  	_ = 	snop  }
0x3c: {  	p2 =	seq.s32 s10, $0x1;
	s10 =	sld [smem:$0x3FBA]  }
0x3d: {  	_ =	shalt  }
0x3e: {  	_ =	shalt  }
0x3f: {  	_ =	shalt  }
0x40: {  	_ =	shalt  }
0x41: {  	_ =	shalt  }
0x42: {  	_ =	shalt  }
0x43: {  	_ =	shalt  }
0x44: {  	_ =	shalt  }
0x45: {  	_ =	shalt  }
0x46: {  	_ =	shalt  }
0x47: {  	_ =	shalt  }
0x48: {  	_ =	shalt  }
0x49: {  	_ =	shalt  }
0x4a: {  	_ =	shalt  }
0x4b: {  	_ =	shalt  }
0x4c: {  	_ =	shalt  }
0x4d: {  	_ =	shalt  }
0x4e: {  	_ =	shalt  }
0x4f: {  	_ =	shalt  }
0x50: {  	_ =	shalt  }
0x51: {  	_ =	shalt  }
0x52: {  	_ =	shalt  }
0x53: {  	_ =	shalt  }
0x54: {  	_ =	shalt  }
0x55: {  	_ =	shalt  }
0x56: {  	_ =	shalt  }
0x57: {  	_ =	shalt  }
0x58: {  	_ =	shalt  }
0x59: {  	_ =	shalt  }
0x5a: {  	_ =	shalt  }
0x5b: {  	_ =	shalt  }
0x5c: {  	_ =	shalt  }
0x5d: {  	_ =	shalt  }
0x5e: {  	_ =	shalt  }
0x5f: {  	_ =	shalt  }
0x60: {  	_ =	shalt  }
0x61: {  	_ =	shalt  }
0x62: {  	_ =	shalt  }
0x63: {  	_ =	shalt  }
0x64: {  	_ =	shalt  }
0x65: {  	_ =	shalt  }
0x66: {  	_ =	shalt  }
0x67: {  	_ =	shalt  }
0x68: {  	_ =	shalt  }
0x69: {  	_ =	shalt  }
0x6a: {  	_ =	shalt  }
0x6b: {  	_ =	shalt  }
0x6c: {  	_ =	shalt  }
0x6d: {  	_ =	shalt  }
0x6e: {  	_ =	shalt  }
0x6f: {  	_ =	shalt  }
0x70: {  	_ =	shalt  }
0x71: {  	_ =	shalt  }
0x72: {  	_ =	shalt  }
0x73: {  	_ =	shalt  }
0x74: {  	_ =	shalt  }
0x75: {  	_ =	shalt  }
0x76: {  	_ =	shalt  }
0x77: {  	_ =	shalt  }
0x78: {  	_ =	shalt  }
0x79: {  	_ =	shalt  }
0x7a: {  	_ =	shalt  }
0x7b: {  	_ =	shalt  }
0x7c: {  	_ =	shalt  }
0x7d: {  	_ =	shalt  }
0x7e: {  	_ =	shalt  }
0x7f: {  	_ =	shalt  }
0x80: {  	_ =	shalt  }
0x81: {  	_ =	shalt  }
0x82: {  	_ =	shalt  }
0x83: {  	_ =	shalt  }
0x84: {  	_ =	shalt  }
0x85: {  	_ =	shalt  }
0x86: {  	_ =	shalt  }
0x87: {  	_ =	shalt  }
.Lfunc_end0:
.L_simem_size_0:
called_computation_lowered:
.L_overlay_start_0:
0x88: {  	s2 =	sld [smem:$0x3FD9]  }
0x89: {  	s3 =	sld [smem:$0x3FFE];
	_ =	sdelay $0x1  }
0x8a: {  	s1 =	srdreg.scid  }
0x8b: {  	s0 =	sand.u32 $0x1, s1  }
0x8c: {  	s17 =	sshll.u32 s0, $0xA;
	s2 =	sadd.s32 s3, s2  }
0x8d: {  	s2 =	sadd.s32 s2, s17  }
0x8e: {  	[smem:$0x3FC6] =	sst s2  }
0x8f: {  	_ = 	snop  }
0x90: {  	s2 =	sld [smem:$0x3FD0];
	(tm) =	ssettm $0x1  }
0x91: {  	s18 =	sld [smem:$0x3FFB];
	_ =	sdelay $0x3  }
0x92: {  	_ =	strace s18  }
0x93: {  	s3 =	sld [smem:$0x3FFC];
	_ =	sdelay $0x3  }
0x94: {  	_ =	strace s3  }
0x95: {  	s3 =	sld [smem:$0x3FFD];
	_ =	sdelay $0x3  }
0x96: {  	_ =	strace s3  }
0x97: {  	_ =	strace $0x8FFFFFFF  }
0x98: {  	s19 =	sld [smem:$0x3FDB];
	_ =	sdelay $0x1  }
0x99: {  	s4 =	simm.s32 $_scs_section_size  }
0x9a: {  	s5 =	simm.s32 $_size__tile_overlayer_lowered;
	s6 =	simm.s32 $_tile_overlayer_lowered  }
0x9b: {  	s22 =	simm.s32 $0x1BFF;
	s21 =	sshll.u32 s6, $0x1;
	s3 =	sadd.s32 s4, s19  }
0x9c: {  	s7 =	simm.s32 $0x0;
	s20 =	sshll.u32 s5, $0x1;
	s5 =	sadd.s32 s21, s3  }
0x9d: {  	[timem:s7], [sflag:s22] =	dma.local [hbm:s5], s20  }
0x9e: {  	_ =	swait.ge [sflag:s22], s20  }
0x9f: {  	s4 =	ssub.s32 $0x0, s20;
	[sflag:s22] =	ssyncset.done $0x0  }
0xa0: {  	[sflag:s22] =	ssyncadd.s32 s4;
	_ =	sdelay $0x1  }
0xa1: {  	s23 =	simm.s32 $0x1B8B  }
0xa2: {  	_ =	swait.ge [sflag:s23], $0x1  }
0xa3: {  	[sflag:s23] =	ssyncset.done $0x0  }
0xa4: {  	s25 =	simm.s32 $0x1B8E;
	s24 =	sld [smem:$0x3FFE];
	[sflag:s23] =	ssyncadd.s32 $0xFFFFFFFF  }
0xa5: {  	s26 =	simm.s32 $execute0_lowered;
	[smem:$0x3FD2] =	sst s25  }
0xa6: {  	s5 =	sshll.u32 s26, $0x1;
	_ =	strace $0x80000046;
	[dreg:$0x1] =	wrdreg $0xFFFFFFFF  }
0xa7: {  	s28 =	simm.s32 $_size_execute0_lowered;
	s3 =	sadd.s32 s3, s5;
	[dreg:$0x0] =	wrdreg $0x0  }
0xa8: {  	s5 =	sshll.u32 s28, $0x1;
	[dreg:$0x2] =	wrdreg s3  }
0xa9: {  	[dreg:$0x3] =	wrdreg s5  }
0xaa: {  	[dreg:$0x4] =	wrdreg $0xC0  }
0xab: {  	_ =	task [dreg:s7], $0x5FFFF  }
0xac: {  	[dreg:$0x1] =	wrdreg $0xFFFFFFFF  }
0xad: {  	[dreg:$0x0] =	wrdreg $0x60  }
0xae: {  	[dreg:$0x2] =	wrdreg s24  }
0xaf: {  	[dreg:$0x3] =	wrdreg s2  }
0xb0: {  	[dreg:$0x4] =	wrdreg $0x0  }
0xb1: {  	[dreg:$0x5] =	wrdreg $0x9C400  }
0xb2: {  	[dreg:$0x6] =	wrdreg $0x9  }
0xb3: {  	_ =	task.clear_ibuf [dreg:s7], $0x7FFFF;
	_ =	strace $0x90000046  }
0xb4: {  	s29 =	simm.s32 $0x9;
	_ =	strace $0x80000048  }
0xb5: {  	_ =	swait.ge [sflag:s29], $0x1  }
0xb6: {  	[sflag:s29] =	ssyncadd.s32 $0xFFFFFFFF  }
0xb7: {  	_ =	strace $0x90000048  }
0xb8: {  	_ =	sfence  }
0xb9: {  	s30 =	sld [smem:$0x0];
	_ =	sdelay $0x2  }
0xba: {  	s31 =	sshll.u32 s1, $0xD;
	s1 =	sshrl.u32 s1, $0x2  }
0xbb: {  	s3 =	sand.u32 $0x4000, s31;
	s1 =	sadd.s32 s1, s30  }
0xbc: {  	s0 =	sor.u32 s3, s0;
	s1 =	sshll.u32 s1, $0x11  }
0xbd: {  	s0 =	sor.u32 s1, s0  }
0xbe: {  	s0 =	sadd.s32 $0x8F2B, s0  }
0xbf: {  	[sflag:s0] =	ssyncadd.remote.s32 $0x1  }
0xc0: {  	_ =	sfence.sel $0xFFFF  }
0xc1: {  	[dreg:$0x0] =	wrdreg $0xFFFFFFFF;
	(pc) =	sbr.abs _section_cstart, $3  }
0xc2: {  	[dreg:$0x1] =	wrdreg $0xFFFFFFFF  }
0xc3: {  	_ =	task.clear_ibuf [dreg:s7], $0x2FFFF;
	_ =	strace $0x9FFFFFFF  }
0xc4: {  	(tm) =	ssettm $0x7FFFFFFF  }
0xc5: {  	_ =	shalt  }
tec
execute0_lowered:
.L_overlay_start_1:
0x0: {  	(tag) =	ssettag $0x1  }
0x1: {  	s11 =	rddreg [dreg:$0x0]  }
0x2: {  	s9 =	rddreg [dreg:$0x1]  }
0x3: {  	s1 =	rddreg [dreg:$0x2]  }
0x4: {  	s3 =	rddreg [dreg:$0x3]  }
0x5: {  	s0 =	rddreg [dreg:$0x4]  }
0x6: {  	s4 =	simm.s32 $0x0;
	s5 =	srdreg.scid;
	s2 =	stileid.u32  }
0x7: {  	s15 =	simm.s32 $0x15F90;
	s16 =	simm.s32 $0x19AA0;
	s17 =	simm.s32 $0x19AF0  }
0x8: {  	s18 =	simm.s32 $0x50;
	s19 =	simm.s32 $0x186A0;
	s20 =	simm.s32 $0x1  }
0x9: {  	s21 =	simm.s32 $0x19B40;
	s22 =	simm.s32 $0x0;
	s7 =	smul.u32 $0x27100, s2  }
0xa: {  	[smem:$0x7FF] =	sst s4;
	s13 =	sand.u32 $0x1, s5;
	s10 =	smul.u32 $0x9C40, s2  }
0xb: {  	s5 =	sadd.s32 $0x27600, s11;
	s6 =	sadd.s32 $0x13C00, s11;
	s31 =	smul.u32 $0x9C4, s2  }
0xc: {  	_ =	strace $0x80000047;
	s8 =	ssub.s32 $0x2, s13;
	s14 =	smul.u32 $0x9C400, s13  }
0xd: {  	p0 =	sne.s32 s13, $0x0;
	s13 =	simm.s32 $0xC350;
	s12 =	sshrl.u32 s8, $0x1  }
0xe: {  	s7 =	sshrl.u32 s7, $0x2;
	s30 =	sshrl.u32 s10, $0x2;
	s11 =	sadd.s32 s31, s11  }
0xf: {  	s12 =	ssub.s32 s8, s12;
	s10 =	sadd.s32 s10, s14;
	s7 =	sadd.s32 s7, s1  }
0x10: {  	s8 =	sadd.s32 s30, s3;
	s14 =	simm.s32 $0x2;
	s10 =	sshrl.u32 s10, $0x3  }
0x11: {  	v0 =	vimm.f32 $0.0e+00;
	v1 =	vimm.f32 $1.000000000e+00;
	s9 =	sadd.s32 s9, s10;
	s10 =	smax.u32 s12, $0x1;
	s12 =	sadd.s32 $0x9E00, s11  }
.LBB2_1:
0x12: {  	s23 =	simm.s32 $0xC370;
	s24 =	simm.s32 $0x0  }
.LBB2_2:
0x13: {  	p1 =	sne.s32 s24, $0x9C00  }
.Ltmp0:
0x14: {  	[tilespmem:s23+$0xFFFFFFE0] =	vst v0;
	(pc) =	sbr.rel @p1 .LBB2_2-.Ltmp0, $4  }
0x15: {  	[tilespmem:s23+$0xFFFFFFF0] =	vst v0  }
0x16: {  	[tilespmem:s23+$0x0] =	vst v0  }
0x17: {  	[tilespmem:s23+$0x10] =	vst v0;
	s25 =	sshra.s32 s24, $0x2  }
0x18: {  	s23 =	sadd.s32 $0x40, s23;
	s24 =	sadd.s32 $0x40, s24;
	[tilespmem:s25+$0x15F90] =	vst v0  }
0x19: {  	s23 =	simm.s32 $0x40;
	s24 =	simm.s32 $0x0  }
.LBB2_4:
0x1a: {  	p1 =	sne.s32 s23, $0x13C0;
	[tilespmem:s24+$0x19B40] =	vst v1;
	s24 =	smov.u32 s23;
	s23 =	sadd.s32 $0x40, s23  }
.Ltmp1:
0x1b: {  	(pc) =	sbr.rel @p1 .LBB2_4-.Ltmp1, $2  }
0x1c: {  	_ =	sdelay $0x2  }
0x1d: {  	s24 =	sshra.s32 s24, $0x2  }
0x1e: {  	[tilespmem:s24+$0x19B40] =	vst v1  }
0x1f: {  	[spmem:s7] =	stream.linear.scatter [tilespmem:s13], [sflag:$0x2], $0x9C40, $0x38;
	[tilespmem:$0x1A040] =	vst v63  }
0x20: {  	_ =	swait.ge [sflag:s14], $0x9C40  }
0x21: {  	[sflag:s14] =	ssyncset.done $0x0  }
0x22: {  	[sflag:s14] =	ssyncadd.s32 $0xFFFF63C0  }
0x23: {  	[spmem:s8] =	stream.linear.scatter [tilespmem:s15], [sflag:$0x2], $0x2710, $0x38;
	[tilespmem:$0x1A040] =	vst v63  }
.Ltmp2:
0x24: {  	_ =	swait.ge [sflag:s14], $0x2710;
	(pc) =	sbr.rel @p0 .LBB2_9-.Ltmp2, $4  }
0x25: {  	[sflag:s14] =	ssyncset.done $0x0  }
0x26: {  	[sflag:s14] =	ssyncadd.s32 $0xFFFFD8F0  }
0x27: {  	[bflag:$0x0] =	sbarrier.arrive $0xFFFF  }
0x28: {  	s23 =	sadd.s32 $0x0, s12  }
0x29: {  	[tilespmem:s16], [sflag:$0x2] =	stream.linear.gather [hbm4b:s23+s4], $0x50, $0x38;
	[tilespmem:$0x1A040] =	vst v63  }
0x2a: {  	_ =	swait.ge [sflag:s14], $0x50  }
0x2b: {  	[sflag:s14] =	ssyncset.done $0x0  }
0x2c: {  	s31 =	sadd.s32 $0x0, s11;
	[sflag:s14] =	ssyncadd.s32 $0xFFFFFFB0  }
0x2d: {  	[tilespmem:s17], [sflag:$0x2] =	stream.linear.gather [hbm4b:s31+s4], $0x50, $0x38;
	[tilespmem:$0x1A040] =	vst v63  }
0x2e: {  	_ =	swait.ge [sflag:s14], $0x50  }
0x2f: {  	[sflag:s14] =	ssyncset.done $0x0  }
0x30: {  	[sflag:s14] =	ssyncadd.s32 $0xFFFFFFB0  }
0x31: {  	[tilespmem:s19], [sflag:$0x1] =	stream.indirect.gather [hbm4b:s5+s18], $0x40, s16, s18, $0xb8;
	[tilespmem:$0x1A040] =	vst v63  }
0x32: {  	_ =	swait.ge [sflag:s20], $0x1400  }
0x33: {  	[sflag:s20] =	ssyncset.done $0x0  }
0x34: {  	[sflag:s20] =	ssyncadd.s32 $0xFFFFEC00  }
0x35: {  	[spmem:s1] =	stream.indirect.scatter.add.f32 [tilespmem:s19], [sflag:$0x2], $0x40, s17, s18, $0xb8;
	[tilespmem:$0x1A040] =	vst v63  }
0x36: {  	_ =	swait.ge [sflag:s14], $0x1400  }
0x37: {  	[sflag:s14] =	ssyncset.done $0x0  }
0x38: {  	[sflag:s14] =	ssyncadd.s32 $0xFFFFEC00  }
0x39: {  	[spmem:s3] =	stream.indirect.scatter.add.f32 [tilespmem:s21], [sflag:$0x2], $0x10, s17, s18, $0xb8;
	[tilespmem:$0x1A040] =	vst v63  }
0x3a: {  	_ =	swait.ge [sflag:s14], $0x500  }
0x3b: {  	s23 =	simm.s32 $0xA;
	s24 =	simm.s32 $0x14;
	[sflag:s14] =	ssyncset.done $0x0  }
.LBB2_7:
0x3c: {  	s25 =	sadd.s32 s23, s12  }
0x3d: {  	[sflag:s14] =	ssyncadd.s32 $0xFFFFFB00;
	s26 =	smov.u32 s24;
	s28 =	sadd.s32 $0xA, s24  }
0x3e: {  	[tilespmem:s16], [sflag:$0x2] =	stream.linear.gather [hbm4b:s25+s4], $0x50, $0x38;
	[tilespmem:$0x1A040] =	vst v63  }
0x3f: {  	p1 =	seq.s32 s24, $0x9BA;
	_ =	swait.ge [sflag:s14], $0x50  }
0x40: {  	[sflag:s14] =	ssyncset.done $0x0  }
0x41: {  	s24 =	sadd.s32 s23, s11;
	s23 =	smov.u32 s26;
	[sflag:s14] =	ssyncadd.s32 $0xFFFFFFB0  }
0x42: {  	[tilespmem:s17], [sflag:$0x2] =	stream.linear.gather [hbm4b:s24+s4], $0x50, $0x38;
	[tilespmem:$0x1A040] =	vst v63  }
0x43: {  	_ =	swait.ge [sflag:s14], $0x50  }
0x44: {  	[sflag:s14] =	ssyncset.done $0x0  }
0x45: {  	[sflag:s14] =	ssyncadd.s32 $0xFFFFFFB0  }
0x46: {  	[tilespmem:s19], [sflag:$0x1] =	stream.indirect.gather [hbm4b:s5+s18], $0x40, s16, s18, $0xb8;
	[tilespmem:$0x1A040] =	vst v63  }
0x47: {  	_ =	swait.ge [sflag:s20], $0x1400  }
0x48: {  	[sflag:s20] =	ssyncset.done $0x0  }
0x49: {  	[sflag:s20] =	ssyncadd.s32 $0xFFFFEC00  }
0x4a: {  	[spmem:s1] =	stream.indirect.scatter.add.f32 [tilespmem:s19], [sflag:$0x2], $0x40, s17, s18, $0xb8;
	[tilespmem:$0x1A040] =	vst v63  }
0x4b: {  	_ =	swait.ge [sflag:s14], $0x1400  }
.Ltmp3:
0x4c: {  	[sflag:s14] =	ssyncset.done $0x0;
	(pc) =	sbr.rel @!p1 .LBB2_7-.Ltmp3, $4  }
0x4d: {  	[sflag:s14] =	ssyncadd.s32 $0xFFFFEC00  }
0x4e: {  	[spmem:s3] =	stream.indirect.scatter.add.f32 [tilespmem:s21], [sflag:$0x2], $0x10, s17, s18, $0xb8;
	[tilespmem:$0x1A040] =	vst v63  }
0x4f: {  	_ =	swait.ge [sflag:s14], $0x500  }
0x50: {  	s24 =	smov.u32 s28;
	[sflag:s14] =	ssyncset.done $0x0  }
0x51: {  	s24 =	sadd.s32 s23, s12;
	[sflag:s14] =	ssyncadd.s32 $0xFFFFFB00  }
0x52: {  	[tilespmem:s16], [sflag:$0x2] =	stream.linear.gather [hbm4b:s24+s4], $0x50, $0x38;
	[tilespmem:$0x1A040] =	vst v63  }
0x53: {  	_ =	swait.ge [sflag:s14], $0x50  }
0x54: {  	[sflag:s14] =	ssyncset.done $0x0  }
0x55: {  	s31 =	sadd.s32 s23, s11;
	[sflag:s14] =	ssyncadd.s32 $0xFFFFFFB0  }
0x56: {  	[tilespmem:s17], [sflag:$0x2] =	stream.linear.gather [hbm4b:s31+s4], $0x50, $0x38;
	[tilespmem:$0x1A040] =	vst v63  }
0x57: {  	_ =	swait.ge [sflag:s14], $0x50  }
0x58: {  	[sflag:s14] =	ssyncset.done $0x0  }
0x59: {  	[sflag:s14] =	ssyncadd.s32 $0xFFFFFFB0  }
0x5a: {  	[tilespmem:s19], [sflag:$0x1] =	stream.indirect.gather [hbm4b:s5+s18], $0x40, s16, s18, $0xb8;
	[tilespmem:$0x1A040] =	vst v63  }
0x5b: {  	_ =	swait.ge [sflag:s20], $0x1400  }
0x5c: {  	[sflag:s20] =	ssyncset.done $0x0  }
0x5d: {  	[sflag:s20] =	ssyncadd.s32 $0xFFFFEC00  }
0x5e: {  	[spmem:s1] =	stream.indirect.scatter.add.f32 [tilespmem:s19], [sflag:$0x2], $0x40, s17, s18, $0xb8;
	[tilespmem:$0x1A040] =	vst v63  }
0x5f: {  	_ =	swait.ge [sflag:s14], $0x1400  }
0x60: {  	[sflag:s14] =	ssyncset.done $0x0  }
.Ltmp4:
0x61: {  	[sflag:s14] =	ssyncadd.s32 $0xFFFFEC00;
	(pc) =	sbr.rel .LBB2_12-.Ltmp4, $4  }
0x62: {  	[spmem:s3] =	stream.indirect.scatter.add.f32 [tilespmem:s21], [sflag:$0x2], $0x10, s17, s18, $0xb8;
	[tilespmem:$0x1A040] =	vst v63  }
0x63: {  	_ =	swait.ge [sflag:s14], $0x500  }
0x64: {  	[sflag:s14] =	ssyncset.done $0x0  }
0x65: {  	[sflag:s14] =	ssyncadd.s32 $0xFFFFFB00  }
.LBB2_9:
0x66: {  	[tilespmem:s16], [sflag:$0x2] =	stream.linear.gather [hbm4b:s23+s4], $0x50, $0x38;
	[tilespmem:$0x1A040] =	vst v63  }
0x67: {  	_ =	swait.ge [sflag:s14], $0x50  }
0x68: {  	[sflag:s14] =	ssyncset.done $0x0  }
0x69: {  	s31 =	sadd.s32 $0x0, s11;
	[sflag:s14] =	ssyncadd.s32 $0xFFFFFFB0  }
0x6a: {  	[tilespmem:s17], [sflag:$0x2] =	stream.linear.gather [hbm4b:s31+s4], $0x50, $0x38;
	[tilespmem:$0x1A040] =	vst v63  }
0x6b: {  	_ =	swait.ge [sflag:s14], $0x50  }
0x6c: {  	[sflag:s14] =	ssyncset.done $0x0  }
0x6d: {  	[sflag:s14] =	ssyncadd.s32 $0xFFFFFFB0  }
0x6e: {  	[tilespmem:s19], [sflag:$0x1] =	stream.indirect.gather [hbm4b:s6+s18], $0x40, s16, s18, $0xb8;
	[tilespmem:$0x1A040] =	vst v63  }
0x6f: {  	_ =	swait.ge [sflag:s20], $0x1400  }
0x70: {  	[sflag:s20] =	ssyncset.done $0x0  }
0x71: {  	[sflag:s20] =	ssyncadd.s32 $0xFFFFEC00  }
0x72: {  	[spmem:s1] =	stream.indirect.scatter.add.f32 [tilespmem:s19], [sflag:$0x2], $0x40, s17, s18, $0xb8;
	[tilespmem:$0x1A040] =	vst v63  }
0x73: {  	_ =	swait.ge [sflag:s14], $0x1400  }
0x74: {  	[sflag:s14] =	ssyncset.done $0x0  }
0x75: {  	[sflag:s14] =	ssyncadd.s32 $0xFFFFEC00  }
0x76: {  	[spmem:s3] =	stream.indirect.scatter.add.f32 [tilespmem:s21], [sflag:$0x2], $0x10, s17, s18, $0xb8;
	[tilespmem:$0x1A040] =	vst v63  }
0x77: {  	_ =	swait.ge [sflag:s14], $0x500  }
0x78: {  	s23 =	simm.s32 $0xA;
	s24 =	simm.s32 $0x14;
	[sflag:s14] =	ssyncset.done $0x0  }
.LBB2_10:
0x79: {  	s25 =	sadd.s32 s23, s12  }
0x7a: {  	[sflag:s14] =	ssyncadd.s32 $0xFFFFFB00;
	s26 =	smov.u32 s24;
	s28 =	sadd.s32 $0xA, s24  }
0x7b: {  	[tilespmem:s16], [sflag:$0x2] =	stream.linear.gather [hbm4b:s25+s4], $0x50, $0x38;
	[tilespmem:$0x1A040] =	vst v63  }
0x7c: {  	p1 =	sne.s32 s24, $0x9BA;
	_ =	swait.ge [sflag:s14], $0x50  }
0x7d: {  	[sflag:s14] =	ssyncset.done $0x0  }
0x7e: {  	s24 =	sadd.s32 s23, s11;
	s23 =	smov.u32 s26;
	[sflag:s14] =	ssyncadd.s32 $0xFFFFFFB0  }
0x7f: {  	[tilespmem:s17], [sflag:$0x2] =	stream.linear.gather [hbm4b:s24+s4], $0x50, $0x38;
	[tilespmem:$0x1A040] =	vst v63  }
0x80: {  	_ =	swait.ge [sflag:s14], $0x50  }
0x81: {  	[sflag:s14] =	ssyncset.done $0x0  }
0x82: {  	[sflag:s14] =	ssyncadd.s32 $0xFFFFFFB0  }
0x83: {  	[tilespmem:s19], [sflag:$0x1] =	stream.indirect.gather [hbm4b:s6+s18], $0x40, s16, s18, $0xb8;
	[tilespmem:$0x1A040] =	vst v63  }
0x84: {  	_ =	swait.ge [sflag:s20], $0x1400  }
0x85: {  	[sflag:s20] =	ssyncset.done $0x0  }
0x86: {  	[sflag:s20] =	ssyncadd.s32 $0xFFFFEC00  }
0x87: {  	[spmem:s1] =	stream.indirect.scatter.add.f32 [tilespmem:s19], [sflag:$0x2], $0x40, s17, s18, $0xb8;
	[tilespmem:$0x1A040] =	vst v63  }
0x88: {  	_ =	swait.ge [sflag:s14], $0x1400  }
.Ltmp5:
0x89: {  	[sflag:s14] =	ssyncset.done $0x0;
	(pc) =	sbr.rel @p1 .LBB2_10-.Ltmp5, $4  }
0x8a: {  	[sflag:s14] =	ssyncadd.s32 $0xFFFFEC00  }
0x8b: {  	[spmem:s3] =	stream.indirect.scatter.add.f32 [tilespmem:s21], [sflag:$0x2], $0x10, s17, s18, $0xb8;
	[tilespmem:$0x1A040] =	vst v63  }
0x8c: {  	_ =	swait.ge [sflag:s14], $0x500  }
0x8d: {  	s24 =	smov.u32 s28;
	[sflag:s14] =	ssyncset.done $0x0  }
0x8e: {  	s24 =	sadd.s32 s23, s12;
	[sflag:s14] =	ssyncadd.s32 $0xFFFFFB00  }
0x8f: {  	[tilespmem:s16], [sflag:$0x2] =	stream.linear.gather [hbm4b:s24+s4], $0x50, $0x38;
	[tilespmem:$0x1A040] =	vst v63  }
0x90: {  	_ =	swait.ge [sflag:s14], $0x50  }
0x91: {  	[sflag:s14] =	ssyncset.done $0x0  }
0x92: {  	s31 =	sadd.s32 s23, s11;
	[sflag:s14] =	ssyncadd.s32 $0xFFFFFFB0  }
0x93: {  	[tilespmem:s17], [sflag:$0x2] =	stream.linear.gather [hbm4b:s31+s4], $0x50, $0x38;
	[tilespmem:$0x1A040] =	vst v63  }
0x94: {  	_ =	swait.ge [sflag:s14], $0x50  }
0x95: {  	[sflag:s14] =	ssyncset.done $0x0  }
0x96: {  	[sflag:s14] =	ssyncadd.s32 $0xFFFFFFB0  }
0x97: {  	[tilespmem:s19], [sflag:$0x1] =	stream.indirect.gather [hbm4b:s6+s18], $0x40, s16, s18, $0xb8;
	[tilespmem:$0x1A040] =	vst v63  }
0x98: {  	_ =	swait.ge [sflag:s20], $0x1400  }
0x99: {  	[sflag:s20] =	ssyncset.done $0x0  }
0x9a: {  	[sflag:s20] =	ssyncadd.s32 $0xFFFFEC00  }
0x9b: {  	[spmem:s1] =	stream.indirect.scatter.add.f32 [tilespmem:s19], [sflag:$0x2], $0x40, s17, s18, $0xb8;
	[tilespmem:$0x1A040] =	vst v63  }
0x9c: {  	_ =	swait.ge [sflag:s14], $0x1400  }
0x9d: {  	[sflag:s14] =	ssyncset.done $0x0  }
0x9e: {  	[sflag:s14] =	ssyncadd.s32 $0xFFFFEC00  }
0x9f: {  	[spmem:s3] =	stream.indirect.scatter.add.f32 [tilespmem:s21], [sflag:$0x2], $0x10, s17, s18, $0xb8;
	[tilespmem:$0x1A040] =	vst v63  }
0xa0: {  	_ =	swait.ge [sflag:s14], $0x500  }
0xa1: {  	[sflag:s14] =	ssyncset.done $0x0  }
0xa2: {  	[sflag:s14] =	ssyncadd.s32 $0xFFFFFB00  }
.LBB2_12:
0xa3: {  	[bflag:$0x0] =	sbarrier.arrive $0xFFFF  }
0xa4: {  	[tilespmem:s13], [sflag:$0x2] =	stream.linear.gather [spmem:s7], $0x9C40, $0x38;
	[tilespmem:$0x1A040] =	vst v63  }
0xa5: {  	_ =	swait.ge [sflag:s14], $0x9C40  }
0xa6: {  	[sflag:s14] =	ssyncset.done $0x0  }
0xa7: {  	[sflag:s14] =	ssyncadd.s32 $0xFFFF63C0  }
0xa8: {  	[tilespmem:s15], [sflag:$0x2] =	stream.linear.gather [spmem:s8], $0x2710, $0x38;
	[tilespmem:$0x1A040] =	vst v63  }
0xa9: {  	_ =	swait.ge [sflag:s14], $0x2710  }
0xaa: {  	[sflag:s14] =	ssyncset.done $0x0  }
0xab: {  	s23 =	simm.s32 $0x0;
	[sflag:s14] =	ssyncadd.s32 $0xFFFFD8F0  }
0xac: {  	v2 =	vld [tilespmem:s23+$0x15F90];
	_ =	sdelay $0x4  }
0xad: {  	v2 =	vmax.f32 v2, $1.000000000e+00  }
0xae: {  	(erf) = vrcp.f32 v2;
	_ =	sdelay $0x3  }
0xaf: {  	s23 =	simm.s32 $0xC370  }
0xb0: {  	v2 =	vld [tilespmem:s23+$0xFFFFFFE0]  }
0xb1: {  	v3 =	vld [tilespmem:s23+$0xFFFFFFF0]  }
0xb2: {  	v4 =	vld [tilespmem:s23+$0x0]  }
0xb3: {  	v5 =	vld [tilespmem:s23+$0x10]  }
0xb4: {  	v6 =	vpop (erf)  }
0xb5: {  	v2 =	vmul.f32 v6, v2  }
0xb6: {  	v3 =	vmul.f32 v3, v6  }
0xb7: {  	v4 =	vmul.f32 v4, v6;
	[tilespmem:s23+$0xFFFFFFE0] =	vst v2  }
0xb8: {  	v2 =	vmul.f32 v5, v6;
	[tilespmem:s23+$0xFFFFFFF0] =	vst v3  }
0xb9: {  	[tilespmem:s23+$0x0] =	vst v4  }
0xba: {  	s25 =	simm.s32 $0x10;
	s24 =	simm.s32 $0x80;
	[tilespmem:s23+$0x10] =	vst v2  }
.LBB2_13:
0xbb: {  	p1 =	sne.s32 s24, $0x9C00;
	v2 =	vld [tilespmem:s25+$0x15F90];
	_ =	sdelay $0x4  }
0xbc: {  	v2 =	vmax.f32 v2, $1.000000000e+00  }
0xbd: {  	(erf) = vrcp.f32 v2;
	_ =	sdelay $0x1  }
0xbe: {  	s23 =	sadd.s32 $0x40, s23  }
0xbf: {  	v2 =	vld [tilespmem:s23+$0xFFFFFFF0]  }
0xc0: {  	v3 =	vld [tilespmem:s23+$0x10]  }
0xc1: {  	v4 =	vld [tilespmem:s23+$0xFFFFFFE0]  }
0xc2: {  	v5 =	vld [tilespmem:s23+$0x0];
	_ =	sdelay $0x2  }
0xc3: {  	v6 =	vpop (erf)  }
0xc4: {  	v4 =	vmul.f32 v6, v4;
	v2 =	vmul.f32 v2, v6  }
.Ltmp6:
0xc5: {  	v3 =	vmul.f32 v3, v6;
	v5 =	vmul.f32 v5, v6;
	(pc) =	sbr.rel @p1 .LBB2_13-.Ltmp6, $4  }
0xc6: {  	[tilespmem:s23+$0xFFFFFFE0] =	vst v4  }
0xc7: {  	[tilespmem:s23+$0xFFFFFFF0] =	vst v2  }
0xc8: {  	[tilespmem:s23+$0x0] =	vst v5  }
0xc9: {  	s25 =	sshra.s32 s24, $0x2;
	s24 =	sadd.s32 $0x40, s24;
	[tilespmem:s23+$0x10] =	vst v3  }
0xca: {  	v2 =	vld [tilespmem:s25+$0x15F90];
	_ =	sdelay $0x4  }
0xcb: {  	v2 =	vmax.f32 v2, $1.000000000e+00  }
0xcc: {  	(erf) = vrcp.f32 v2;
	_ =	sdelay $0x3  }
0xcd: {  	s23 =	sadd.s32 $0x40, s23  }
0xce: {  	v2 =	vld [tilespmem:s23+$0xFFFFFFE0]  }
0xcf: {  	v3 =	vld [tilespmem:s23+$0xFFFFFFF0]  }
0xd0: {  	v4 =	vld [tilespmem:s23+$0x0]  }
0xd1: {  	v5 =	vld [tilespmem:s23+$0x10]  }
0xd2: {  	v6 =	vpop (erf)  }
0xd3: {  	v2 =	vmul.f32 v6, v2  }
0xd4: {  	v3 =	vmul.f32 v3, v6  }
0xd5: {  	v4 =	vmul.f32 v4, v6;
	[tilespmem:s23+$0xFFFFFFE0] =	vst v2  }
0xd6: {  	s22 =	sadd.s32 $0x1, s22;
	v2 =	vmul.f32 v5, v6;
	[tilespmem:s23+$0xFFFFFFF0] =	vst v3  }
0xd7: {  	p1 =	sne.s32 s22, s10;
	[tilespmem:s23+$0x0] =	vst v4  }
.Ltmp7:
0xd8: {  	[tilespmem:s23+$0x10] =	vst v2;
	(pc) =	sbr.rel @p1 .LBB2_1-.Ltmp7, $4  }
0xd9: {  	[hbm4b:s9+s4] =	stream.linear.scatter [tilespmem:s13], [sflag:$0x2], $0x9C40, $0x38;
	[tilespmem:$0x1A040] =	vst v63  }
0xda: {  	_ =	swait.ge [sflag:s14], $0x9C40  }
0xdb: {  	[sflag:s14] =	ssyncset.done $0x0  }
0xdc: {  	[sflag:s14] =	ssyncadd.s32 $0xFFFF63C0  }
0xdd: {  	_ =	sfence.sel $0x180000  }
0xde: {  	[bflag:$0x0] =	sbarrier.arrive $0xFFFF  }
0xdf: {  	p0 =	sne.s32 s2, $0x0;
	_ =	strace $0x90000047  }
0xe0: {  	s0 =	sadd.s32 @!p0 $0x100000, s0;
	[bflag:$0x2] =	sbarrier.arrive $0xFFFF  }
0xe1: {  	[sflag:s0] =	ssyncadd.tile.s32 @!p0 $0x1;
	_ =	shalt  }
.Lfunc_end2:
_tile_overlayer_lowered:
.L_overlay_start_2:
0xe2: {  	(tag) =	ssettag $0x2  }
0xe3: {  	s0 =	rddreg [dreg:$0x0];
	s2 =	stileid.u32  }
0xe4: {  	s1 =	rddreg [dreg:$0x1];
	p0 =	sne.s32 s2, $0x0  }
0xe5: {  	s3 =	rddreg [dreg:$0x2];
	[bflag:$0x3] =	sbarrier.arrive $0xFFFF;
	s2 =	simm.s32 @!p0 $0x1C02  }
0xe6: {  	[timem:s3], [sflag:s2] =	dma.local @!p0 [hbm:s0], s1  }
0xe7: {  	s0 =	simm.s32 @!p0 $0x2  }
0xe8: {  	_ =	swait.ge @!p0 [sflag:s0], s1  }
0xe9: {  	s1 =	ssub.s32 @!p0 $0x0, s1;
	[sflag:s0] =	ssyncset.done @!p0 $0x0  }
0xea: {  	[sflag:s0] =	ssyncadd.s32 @!p0 s1  }
0xeb: {  	[bflag:$0x3] =	sbarrier.arrive $0xFFFF  }
0xec: {  	_ =	shalt  }

</sc_bundles>
